<compile_context>
chip_gen: v7x
topology: tpu7x:2x2x1
jax: 0.10.2.dev20260603
libtpu: 0.0.44.dev20260713+nightly
codegen_flags: <defaults>
</compile_context>

<pallas_src>
import functools

import jax
import jax.numpy as jnp
from jax import lax
from jax.experimental import pallas as pl
from jax.experimental.pallas import tpu as pltpu
from jax.experimental.pallas import tpu_sc as plsc

_NUM_CLASSES = 64
_NUM_SAMPLES = 100000
_EMB = 256
_B = 16384
_EPS = 1e-4
_KL_START_EPOCH = 2

_NC = 2
_NS = 16
_NW = _NC * _NS
_BPW = _B // _NW
_CHUNK = 128


def _sc_gather_u(u_flat, idx):
    mesh = plsc.VectorSubcoreMesh(core_axis_name="c", subcore_axis_name="s")
    nchunk = _BPW // _CHUNK

    @functools.partial(
        pl.kernel,
        mesh=mesh,
        out_type=jax.ShapeDtypeStruct((_B // 128, 128), jnp.float32),
        scratch_types=[
            pltpu.VMEM((_BPW,), jnp.int32),
            pltpu.VMEM((_BPW // _CHUNK, _CHUNK), jnp.float32),
            pltpu.SemaphoreType.DMA,
        ],
    )
    def k(u_hbm, idx_hbm, out_hbm, idx_v, out_v, sem):
        wid = lax.axis_index("s") * _NC + lax.axis_index("c")
        base = wid * _BPW
        pltpu.sync_copy(idx_hbm.at[pl.ds(base, _BPW)], idx_v)
        copies = []
        for j in range(nchunk):
            copies.append(pltpu.async_copy(
                u_hbm.at[idx_v.at[pl.ds(j * _CHUNK, _CHUNK)]],
                out_v.at[j], sem))
        for c in copies:
            c.wait()
        pltpu.sync_copy(out_v, out_hbm.at[pl.ds(wid * nchunk, nchunk)])

    return k(u_flat, idx)


def _rows_body(lgt_ref, oht_ref, emb_ref, mv_ref, v_ref):
    lgt = lgt_ref[...]
    oht = oht_ref[...]
    emb = emb_ref[...]
    mv = mv_ref[...]
    ones_d = jnp.ones((1, _EMB), jnp.float32)

    def colsum(x):
        return jnp.sum(x, axis=0, keepdims=True)

    mvn = mv / jnp.clip(jnp.sqrt(jnp.sum(mv * mv, axis=1, keepdims=True)),
                        1e-8, None)
    sim64t = lax.dot_general(mvn, emb, (((1,), (1,)), ((), ())),
                             preferred_element_type=jnp.float32)
    emb_sq = lax.dot_general(ones_d, emb * emb, (((1,), (1,)), ((), ())),
                             preferred_element_type=jnp.float32)
    s2 = colsum(sim64t * oht)
    a = colsum(lgt * oht)
    z = colsum(jnp.exp(lgt))

    col_max = jnp.max(lgt, axis=0, keepdims=True)
    match = colsum((lgt >= col_max).astype(jnp.float32) * oht)

    emb_n = jnp.clip(jnp.sqrt(emb_sq), 1e-8, None)
    sim_pos = jnp.maximum(s2 / emb_n, 0.0)

    stacked = jnp.concatenate([sim_pos, a, z, match], axis=0)
    v_ref[...] = stacked.reshape(4, -1, 128)


def _rows(logits_t, onehot_t, emb, mv, interpret=False):
    nb = 2
    r = _B // nb
    rr = r // 128
    return pl.pallas_call(
        _rows_body,
        grid=(nb,),
        in_specs=[
            pl.BlockSpec((_NUM_CLASSES, r), lambda i: (0, i)),
            pl.BlockSpec((_NUM_CLASSES, r), lambda i: (0, i)),
            pl.BlockSpec((r, _EMB), lambda i: (i, 0)),
            pl.BlockSpec((_NUM_CLASSES, _EMB), lambda i: (0, 0)),
        ],
        out_specs=pl.BlockSpec((4, rr, 128), lambda i: (0, i, 0)),
        out_shape=jax.ShapeDtypeStruct((4, _B // 128, 128), jnp.float32),
        compiler_params=pltpu.CompilerParams(vmem_limit_bytes=120 * 1024 * 1024),
        interpret=interpret,
    )(logits_t, onehot_t, emb, mv)


def _finish_body(v_ref, ub_ref, ta_ref, o_l1, o_l2, o_kl):
    v = v_ref[...]
    sim_pos = v[0]
    a = v[1]
    z = v[2]
    match = v[3]
    ub = ub_ref[...]
    ta = ta_ref[...]

    ea = jnp.exp(a)
    p_l = ea / z
    pred = jnp.clip(p_l + ta * ub, _EPS, 1.0)
    l1_rows = -sim_pos * jnp.log(pred)

    um1 = ub - 1.0
    l2_rows = 1.0 + um1 * um1 + 2.0 * um1 * match

    uc = jnp.clip(ub, 1e-8, None)
    s = -jnp.log(uc)
    es = 1.0 / uc

    def total(x):
        return jnp.sum(jnp.sum(x, axis=1, keepdims=True), axis=0,
                       keepdims=True)

    inv_b = 1.0 / _B
    o_l1[...] = total(l1_rows) * inv_b
    o_l2[...] = total(l2_rows) * inv_b
    z_a = total(ea)
    z_s = total(es)
    w_s = total(es * (s - a))
    o_kl[...] = (w_s / z_s - jnp.log(z_s) + jnp.log(z_a)) * inv_b


def _finish(v, ub_row, ta_arr, interpret=False):
    return pl.pallas_call(
        _finish_body,
        out_shape=[jax.ShapeDtypeStruct((1, 1), jnp.float32)] * 3,
        interpret=interpret,
    )(v, ub_row, ta_arr)


def kernel(batch_indices, model_logits, label_onehot, embeddings_detached,
           training_accuracy, epoch, u, masterVector):
    ub = _sc_gather_u(u.reshape(-1), batch_indices.astype(jnp.int32))
    ta_arr = jnp.asarray(training_accuracy, jnp.float32).reshape(1, 1)
    v = _rows(model_logits.T, label_onehot.T, embeddings_detached,
              masterVector)
    l1b, l2b, klb = _finish(v, ub, ta_arr)
    loss_l1 = l1b[0, 0]
    loss_l2 = l2b[0, 0]
    kl = klb[0, 0]
    loss_l3 = jnp.where(epoch >= _KL_START_EPOCH,
                        (1.0 - training_accuracy) * kl, jnp.float32(0.0))
    total = loss_l1 + loss_l2 + loss_l3
    return (total, loss_l1, loss_l2, loss_l3)

# --- scband reference (transcript-rebuilt; emitter-appended) ---
"""Pipeline reference for scband-graph-centroid-outlier-discounting-34196529611080 (READ-ONLY COPY).

The authoritative reference and input builder live on the scoring server;
editing this copy changes nothing except your own understanding.
"""

import jax, jax.numpy as jnp
import numpy as np

NUM_CLASSES = 64
NUM_SAMPLES = 100000
EMB = 256
B = 16384
TEMP = 1.0
KL_START_EPOCH = 2


def setup_inputs(seed: int = 0) -> dict:
    key = jax.random.key(seed)
    k1, k2, k3, k4, k5, k6 = jax.random.split(key, 6)
    batch_indices = jax.random.randint(k1, (B,), 0, NUM_SAMPLES, dtype=jnp.int64 if jax.config.jax_enable_x64 else jnp.int32)
    model_logits = jax.random.normal(k2, (B, NUM_CLASSES), dtype=jnp.float32)
    labels = jax.random.randint(k3, (B,), 0, NUM_CLASSES)
    label_onehot = jax.nn.one_hot(labels, NUM_CLASSES, dtype=jnp.float32)
    embeddings_detached = jax.random.normal(k4, (B, EMB), dtype=jnp.float32)
    # learned parameter u: init normal(mean=1e-8, std=1e-9), shape [num_samples, 1]
    u = 1e-8 + 1e-9 * jax.random.normal(k5, (NUM_SAMPLES, 1), dtype=jnp.float32)
    # masterVector buffer: class centroids (row-normalized), shape [C, D]
    mv = jax.random.normal(k6, (NUM_CLASSES, EMB), dtype=jnp.float32)
    mv = mv / jnp.clip(jnp.linalg.norm(mv, axis=1, keepdims=True), 1e-8, None)
    training_accuracy = jnp.float32(0.7)
    epoch = 5
    return {
        'batch_indices': batch_indices,
        'model_logits': model_logits,
        'label_onehot': label_onehot,
        'embeddings_detached': embeddings_detached,
        'training_accuracy': training_accuracy,
        'epoch': epoch,
        'u': u,
        'masterVector': mv,
    }


def reference(batch_indices, model_logits, label_onehot, embeddings_detached, training_accuracy, epoch, u, masterVector):
    eps = 1e-4
    # gather per-sample uncertainty
    u_b = jnp.take(u, batch_indices, axis=0)  # [B, 1]
    u_masked = u_b * label_onehot             # [B, C]

    # ---- L1: soft-label CE with uncertainty-adjusted predictions ----
    mv_norm = jnp.clip(jnp.linalg.norm(masterVector, axis=1, keepdims=True), 1e-8, None)
    mv_t = (masterVector / mv_norm).T          # [D, C]
    out_norm = jnp.clip(jnp.linalg.norm(embeddings_detached, axis=1, keepdims=True), 1e-8, None)
    out_normalized = embeddings_detached / out_norm
    similarity = out_normalized @ mv_t          # [B, C]
    similarity = similarity * label_onehot
    similarity = similarity * (similarity > 0.0).astype(jnp.float32)
    prediction = jax.nn.softmax(model_logits, axis=1)
    prediction = jnp.clip(prediction + training_accuracy * jax.lax.stop_gradient(u_masked), eps, 1.0)
    loss_l1 = jnp.mean(-jnp.sum(similarity * jnp.log(prediction), axis=1))

    # ---- L2: MSE between (predicted one-hot + u) and true labels ----
    hard = jax.nn.one_hot(jnp.argmax(jax.lax.stop_gradient(model_logits), axis=1), NUM_CLASSES, dtype=jnp.float32)
    loss_l2 = jnp.sum((hard + u_masked - label_onehot) ** 2) / label_onehot.shape[0]

    # ---- L3: batch-wide KL between alignment and uncertainty ----
    alignment = jnp.sum(model_logits * label_onehot, axis=1) / TEMP  # [B]
    u_det = jax.lax.stop_gradient(u_b).reshape(-1)
    log_input = jax.nn.log_softmax(alignment, axis=0)
    target = jax.nn.softmax(-jnp.log(jnp.clip(u_det, 1e-8, None)), axis=0)
    kl = jnp.sum(target * (jnp.log(jnp.clip(target, 1e-38, None)) - log_input)) / alignment.shape[0]
    loss_l3 = jnp.where(epoch >= KL_START_EPOCH, (1.0 - training_accuracy) * kl, jnp.float32(0.0))

    total_loss = loss_l1 + loss_l2 + loss_l3
    return (total_loss, loss_l1, loss_l2, loss_l3)

if __name__ == "__main__":
    import jax
    _d = setup_inputs()
    print(jax.jit(kernel)(*tuple(_d.values())))

</pallas_src>

<mosaic_0001>
#map = affine_map<(d0, d1) -> (0)>
#map1 = affine_map<(d0, d1) -> (0, 0)>
module attributes {stable_mosaic.version = 14 : i64} {
  func.func @k(%arg0: i32, %arg1: i32, %arg2: memref<100000xf32, #tpu.memory_space<hbm>>, %arg3: memref<16384xi32, #tpu.memory_space<hbm>>, %arg4: memref<128x128xf32, #tpu.memory_space<hbm>>, %arg5: memref<512xi32, #tpu.memory_space<vmem>>, %arg6: memref<4x128xf32, #tpu.memory_space<vmem>>, %arg7: memref<!tpu.dma_semaphore, #tpu.memory_space<semaphore_mem>>) attributes {dimension_semantics = [#tpu.dimension_semantics<core_parallel>, #tpu.dimension_semantics<subcore_parallel>], iteration_bounds = array<i64: 2, 16>, scalar_prefetch = 0 : i64, scratch_operands = 3 : i64, tpu.core_type = #tpu.core_type<sc_vector_subcore>, window_params = [{transform_indices = #map}, {transform_indices = #map}, {transform_indices = #map1}]} {
    %mul3A = arith.constant 2 : i32
    %mul3A_0 = arith.muli %arg1, %mul3A : i32
    %add3A = arith.addi %mul3A_0, %arg0 : i32
    %mul3A_1 = arith.constant 512 : i32
    %mul3A_2 = arith.muli %add3A, %mul3A_1 : i32
    "tpu.region"() ({
      %run_scoped3A = tpu.sem_alloc : memref<!tpu.dma_semaphore, #tpu.memory_space<semaphore_mem>>
      %dma_start3A_67 = tpu.memref_slice %arg3[%mul3A_2] : memref<16384xi32, #tpu.memory_space<hbm>> -> memref<512xi32, #tpu.memory_space<hbm>>
      %dma_start3A_68 = tpu.memref_slice %arg3[%mul3A_2] : memref<16384xi32, #tpu.memory_space<hbm>> -> memref<512xi32, #tpu.memory_space<hbm>>
      tpu.enqueue_dma source(%dma_start3A_68 : memref<512xi32, #tpu.memory_space<hbm>>) target(%arg5 : memref<512xi32, #tpu.memory_space<vmem>>) target_semaphore(%run_scoped3A : memref<!tpu.dma_semaphore, #tpu.memory_space<semaphore_mem>>)
      %dma_wait3A_69 = tpu.memref_slice %arg3[%mul3A_2] : memref<16384xi32, #tpu.memory_space<hbm>> -> memref<512xi32, #tpu.memory_space<hbm>>
      %dma_wait3A_70 = tpu.memref_slice %arg3[%mul3A_2] : memref<16384xi32, #tpu.memory_space<hbm>> -> memref<512xi32, #tpu.memory_space<hbm>>
      tpu.wait_dma2 semaphore(%run_scoped3A : memref<!tpu.dma_semaphore, #tpu.memory_space<semaphore_mem>>) src(%dma_wait3A_70 : memref<512xi32, #tpu.memory_space<hbm>>) dst(%arg5 : memref<512xi32, #tpu.memory_space<vmem>>)
      tpu.yield
    }) : () -> ()
    %dma_start3A = arith.constant 0 : i32
    %dma_start3A_3 = arith.constant 0 : i32
    %dma_start3A_4 = tpu.memref_slice %arg6[%dma_start3A, %dma_start3A_3] : memref<4x128xf32, #tpu.memory_space<vmem>> -> memref<1x128xf32, #tpu.memory_space<vmem>>
    %dma_start3A_5 = tpu.memref_squeeze %dma_start3A_4 : memref<1x128xf32, #tpu.memory_space<vmem>> -> memref<128xf32, #tpu.memory_space<vmem>>
    %dma_start3A_6 = arith.constant 0 : i32
    %dma_start3A_7 = tpu.memref_slice %arg5[%dma_start3A_6] : memref<512xi32, #tpu.memory_space<vmem>> -> memref<128xi32, #tpu.memory_space<vmem>>
    %dma_start3A_8 = arith.constant 0 : i32
    %dma_start3A_9 = tpu.memref_slice %arg2[%dma_start3A_8] : memref<100000xf32, #tpu.memory_space<hbm>> -> memref<100000xf32, #tpu.memory_space<hbm>>
    tpu.enqueue_indirect_dma source(%dma_start3A_9 : memref<100000xf32, #tpu.memory_space<hbm>>) target(%dma_start3A_5 : memref<128xf32, #tpu.memory_space<vmem>>) offsets(%dma_start3A_7 : memref<128xi32, #tpu.memory_space<vmem>>) semaphore(%arg7 : memref<!tpu.dma_semaphore, #tpu.memory_space<semaphore_mem>>)
    %dma_start3A_10 = arith.constant 1 : i32
    %dma_start3A_11 = arith.constant 0 : i32
    %dma_start3A_12 = tpu.memref_slice %arg6[%dma_start3A_10, %dma_start3A_11] : memref<4x128xf32, #tpu.memory_space<vmem>> -> memref<1x128xf32, #tpu.memory_space<vmem>>
    %dma_start3A_13 = tpu.memref_squeeze %dma_start3A_12 : memref<1x128xf32, #tpu.memory_space<vmem>> -> memref<128xf32, #tpu.memory_space<vmem>>
    %dma_start3A_14 = arith.constant 128 : i32
    %dma_start3A_15 = tpu.memref_slice %arg5[%dma_start3A_14] : memref<512xi32, #tpu.memory_space<vmem>> -> memref<128xi32, #tpu.memory_space<vmem>>
    %dma_start3A_16 = arith.constant 0 : i32
    %dma_start3A_17 = tpu.memref_slice %arg2[%dma_start3A_16] : memref<100000xf32, #tpu.memory_space<hbm>> -> memref<100000xf32, #tpu.memory_space<hbm>>
    tpu.enqueue_indirect_dma source(%dma_start3A_17 : memref<100000xf32, #tpu.memory_space<hbm>>) target(%dma_start3A_13 : memref<128xf32, #tpu.memory_space<vmem>>) offsets(%dma_start3A_15 : memref<128xi32, #tpu.memory_space<vmem>>) semaphore(%arg7 : memref<!tpu.dma_semaphore, #tpu.memory_space<semaphore_mem>>)
    %dma_start3A_18 = arith.constant 2 : i32
    %dma_start3A_19 = arith.constant 0 : i32
    %dma_start3A_20 = tpu.memref_slice %arg6[%dma_start3A_18, %dma_start3A_19] : memref<4x128xf32, #tpu.memory_space<vmem>> -> memref<1x128xf32, #tpu.memory_space<vmem>>
    %dma_start3A_21 = tpu.memref_squeeze %dma_start3A_20 : memref<1x128xf32, #tpu.memory_space<vmem>> -> memref<128xf32, #tpu.memory_space<vmem>>
    %dma_start3A_22 = arith.constant 256 : i32
    %dma_start3A_23 = tpu.memref_slice %arg5[%dma_start3A_22] : memref<512xi32, #tpu.memory_space<vmem>> -> memref<128xi32, #tpu.memory_space<vmem>>
    %dma_start3A_24 = arith.constant 0 : i32
    %dma_start3A_25 = tpu.memref_slice %arg2[%dma_start3A_24] : memref<100000xf32, #tpu.memory_space<hbm>> -> memref<100000xf32, #tpu.memory_space<hbm>>
    tpu.enqueue_indirect_dma source(%dma_start3A_25 : memref<100000xf32, #tpu.memory_space<hbm>>) target(%dma_start3A_21 : memref<128xf32, #tpu.memory_space<vmem>>) offsets(%dma_start3A_23 : memref<128xi32, #tpu.memory_space<vmem>>) semaphore(%arg7 : memref<!tpu.dma_semaphore, #tpu.memory_space<semaphore_mem>>)
    %dma_start3A_26 = arith.constant 3 : i32
    %dma_start3A_27 = arith.constant 0 : i32
    %dma_start3A_28 = tpu.memref_slice %arg6[%dma_start3A_26, %dma_start3A_27] : memref<4x128xf32, #tpu.memory_space<vmem>> -> memref<1x128xf32, #tpu.memory_space<vmem>>
    %dma_start3A_29 = tpu.memref_squeeze %dma_start3A_28 : memref<1x128xf32, #tpu.memory_space<vmem>> -> memref<128xf32, #tpu.memory_space<vmem>>
    %dma_start3A_30 = arith.constant 384 : i32
    %dma_start3A_31 = tpu.memref_slice %arg5[%dma_start3A_30] : memref<512xi32, #tpu.memory_space<vmem>> -> memref<128xi32, #tpu.memory_space<vmem>>
    %dma_start3A_32 = arith.constant 0 : i32
    %dma_start3A_33 = tpu.memref_slice %arg2[%dma_start3A_32] : memref<100000xf32, #tpu.memory_space<hbm>> -> memref<100000xf32, #tpu.memory_space<hbm>>
    tpu.enqueue_indirect_dma source(%dma_start3A_33 : memref<100000xf32, #tpu.memory_space<hbm>>) target(%dma_start3A_29 : memref<128xf32, #tpu.memory_space<vmem>>) offsets(%dma_start3A_31 : memref<128xi32, #tpu.memory_space<vmem>>) semaphore(%arg7 : memref<!tpu.dma_semaphore, #tpu.memory_space<semaphore_mem>>)
    %dma_wait3A = arith.constant 0 : i32
    %dma_wait3A_34 = arith.constant 0 : i32
    %dma_wait3A_35 = tpu.memref_slice %arg6[%dma_wait3A, %dma_wait3A_34] : memref<4x128xf32, #tpu.memory_space<vmem>> -> memref<1x128xf32, #tpu.memory_space<vmem>>
    %dma_wait3A_36 = tpu.memref_squeeze %dma_wait3A_35 : memref<1x128xf32, #tpu.memory_space<vmem>> -> memref<128xf32, #tpu.memory_space<vmem>>
    %dma_wait3A_37 = arith.constant 0 : i32
    %dma_wait3A_38 = tpu.memref_slice %arg5[%dma_wait3A_37] : memref<512xi32, #tpu.memory_space<vmem>> -> memref<128xi32, #tpu.memory_space<vmem>>
    %dma_wait3A_39 = arith.constant 0 : i32
    %dma_wait3A_40 = tpu.memref_slice %arg2[%dma_wait3A_39] : memref<100000xf32, #tpu.memory_space<hbm>> -> memref<100000xf32, #tpu.memory_space<hbm>>
    tpu.wait_indirect_dma semaphore(%arg7 : memref<!tpu.dma_semaphore, #tpu.memory_space<semaphore_mem>>) src(%dma_wait3A_40 : memref<100000xf32, #tpu.memory_space<hbm>>) dst(%dma_wait3A_36 : memref<128xf32, #tpu.memory_space<vmem>>)
    %dma_wait3A_41 = arith.constant 1 : i32
    %dma_wait3A_42 = arith.constant 0 : i32
    %dma_wait3A_43 = tpu.memref_slice %arg6[%dma_wait3A_41, %dma_wait3A_42] : memref<4x128xf32, #tpu.memory_space<vmem>> -> memref<1x128xf32, #tpu.memory_space<vmem>>
    %dma_wait3A_44 = tpu.memref_squeeze %dma_wait3A_43 : memref<1x128xf32, #tpu.memory_space<vmem>> -> memref<128xf32, #tpu.memory_space<vmem>>
    %dma_wait3A_45 = arith.constant 128 : i32
    %dma_wait3A_46 = tpu.memref_slice %arg5[%dma_wait3A_45] : memref<512xi32, #tpu.memory_space<vmem>> -> memref<128xi32, #tpu.memory_space<vmem>>
    %dma_wait3A_47 = arith.constant 0 : i32
    %dma_wait3A_48 = tpu.memref_slice %arg2[%dma_wait3A_47] : memref<100000xf32, #tpu.memory_space<hbm>> -> memref<100000xf32, #tpu.memory_space<hbm>>
    tpu.wait_indirect_dma semaphore(%arg7 : memref<!tpu.dma_semaphore, #tpu.memory_space<semaphore_mem>>) src(%dma_wait3A_48 : memref<100000xf32, #tpu.memory_space<hbm>>) dst(%dma_wait3A_44 : memref<128xf32, #tpu.memory_space<vmem>>)
    %dma_wait3A_49 = arith.constant 2 : i32
    %dma_wait3A_50 = arith.constant 0 : i32
    %dma_wait3A_51 = tpu.memref_slice %arg6[%dma_wait3A_49, %dma_wait3A_50] : memref<4x128xf32, #tpu.memory_space<vmem>> -> memref<1x128xf32, #tpu.memory_space<vmem>>
    %dma_wait3A_52 = tpu.memref_squeeze %dma_wait3A_51 : memref<1x128xf32, #tpu.memory_space<vmem>> -> memref<128xf32, #tpu.memory_space<vmem>>
    %dma_wait3A_53 = arith.constant 256 : i32
    %dma_wait3A_54 = tpu.memref_slice %arg5[%dma_wait3A_53] : memref<512xi32, #tpu.memory_space<vmem>> -> memref<128xi32, #tpu.memory_space<vmem>>
    %dma_wait3A_55 = arith.constant 0 : i32
    %dma_wait3A_56 = tpu.memref_slice %arg2[%dma_wait3A_55] : memref<100000xf32, #tpu.memory_space<hbm>> -> memref<100000xf32, #tpu.memory_space<hbm>>
    tpu.wait_indirect_dma semaphore(%arg7 : memref<!tpu.dma_semaphore, #tpu.memory_space<semaphore_mem>>) src(%dma_wait3A_56 : memref<100000xf32, #tpu.memory_space<hbm>>) dst(%dma_wait3A_52 : memref<128xf32, #tpu.memory_space<vmem>>)
    %dma_wait3A_57 = arith.constant 3 : i32
    %dma_wait3A_58 = arith.constant 0 : i32
    %dma_wait3A_59 = tpu.memref_slice %arg6[%dma_wait3A_57, %dma_wait3A_58] : memref<4x128xf32, #tpu.memory_space<vmem>> -> memref<1x128xf32, #tpu.memory_space<vmem>>
    %dma_wait3A_60 = tpu.memref_squeeze %dma_wait3A_59 : memref<1x128xf32, #tpu.memory_space<vmem>> -> memref<128xf32, #tpu.memory_space<vmem>>
    %dma_wait3A_61 = arith.constant 384 : i32
    %dma_wait3A_62 = tpu.memref_slice %arg5[%dma_wait3A_61] : memref<512xi32, #tpu.memory_space<vmem>> -> memref<128xi32, #tpu.memory_space<vmem>>
    %dma_wait3A_63 = arith.constant 0 : i32
    %dma_wait3A_64 = tpu.memref_slice %arg2[%dma_wait3A_63] : memref<100000xf32, #tpu.memory_space<hbm>> -> memref<100000xf32, #tpu.memory_space<hbm>>
    tpu.wait_indirect_dma semaphore(%arg7 : memref<!tpu.dma_semaphore, #tpu.memory_space<semaphore_mem>>) src(%dma_wait3A_64 : memref<100000xf32, #tpu.memory_space<hbm>>) dst(%dma_wait3A_60 : memref<128xf32, #tpu.memory_space<vmem>>)
    %mul3A_65 = arith.constant 4 : i32
    %mul3A_66 = arith.muli %add3A, %mul3A_65 : i32
    "tpu.region"() ({
      %run_scoped3A = tpu.sem_alloc : memref<!tpu.dma_semaphore, #tpu.memory_space<semaphore_mem>>
      %dma_start3A_67 = arith.constant 0 : i32
      %dma_start3A_68 = tpu.memref_slice %arg4[%mul3A_66, %dma_start3A_67] : memref<128x128xf32, #tpu.memory_space<hbm>> -> memref<4x128xf32, #tpu.memory_space<hbm>>
      %dma_start3A_69 = arith.constant 0 : i32
      %dma_start3A_70 = tpu.memref_slice %arg4[%mul3A_66, %dma_start3A_69] : memref<128x128xf32, #tpu.memory_space<hbm>> -> memref<4x128xf32, #tpu.memory_space<hbm>>
      tpu.enqueue_dma source(%arg6 : memref<4x128xf32, #tpu.memory_space<vmem>>) target(%dma_start3A_70 : memref<4x128xf32, #tpu.memory_space<hbm>>) target_semaphore(%run_scoped3A : memref<!tpu.dma_semaphore, #tpu.memory_space<semaphore_mem>>)
      %dma_wait3A_71 = arith.constant 0 : i32
      %dma_wait3A_72 = tpu.memref_slice %arg4[%mul3A_66, %dma_wait3A_71] : memref<128x128xf32, #tpu.memory_space<hbm>> -> memref<4x128xf32, #tpu.memory_space<hbm>>
      %dma_wait3A_73 = arith.constant 0 : i32
      %dma_wait3A_74 = tpu.memref_slice %arg4[%mul3A_66, %dma_wait3A_73] : memref<128x128xf32, #tpu.memory_space<hbm>> -> memref<4x128xf32, #tpu.memory_space<hbm>>
      tpu.wait_dma2 semaphore(%run_scoped3A : memref<!tpu.dma_semaphore, #tpu.memory_space<semaphore_mem>>) src(%arg6 : memref<4x128xf32, #tpu.memory_space<vmem>>) dst(%dma_wait3A_74 : memref<4x128xf32, #tpu.memory_space<hbm>>)
      tpu.yield
    }) : () -> ()
    return
  }
}

module attributes {stable_mosaic.version = 14 : i64} {
  func.func @_finish_body(%arg0: memref<4x128x128xf32, #tpu.memory_space<vmem>>, %arg1: memref<128x128xf32, #tpu.memory_space<vmem>>, %arg2: memref<1x1xf32, #tpu.memory_space<vmem>>, %arg3: memref<1x1xf32, #tpu.memory_space<vmem>>, %arg4: memref<1x1xf32, #tpu.memory_space<vmem>>, %arg5: memref<1x1xf32, #tpu.memory_space<vmem>>) attributes {dimension_semantics = [], scalar_prefetch = 0 : i64, scratch_operands = 0 : i64, tpu.core_type = #tpu.core_type<tc>} {
    %get3A = arith.constant 0 : index
    %get3A_0 = arith.constant 0 : index
    %get3A_1 = arith.constant 0 : index
    %get3A_2 = vector.load %arg0[%get3A, %get3A_0, %get3A_1] : memref<4x128x128xf32, #tpu.memory_space<vmem>>, vector<4x128x128xf32>
    %slice3A = vector.extract_strided_slice %get3A_2 {offsets = [0, 0, 0], sizes = [1, 128, 128], strides = [1, 1, 1]} : vector<4x128x128xf32> to vector<1x128x128xf32>
    %squeeze3A = vector.shape_cast %slice3A : vector<1x128x128xf32> to vector<128x128xf32>
    %slice3A_3 = vector.extract_strided_slice %get3A_2 {offsets = [1, 0, 0], sizes = [1, 128, 128], strides = [1, 1, 1]} : vector<4x128x128xf32> to vector<1x128x128xf32>
    %squeeze3A_4 = vector.shape_cast %slice3A_3 : vector<1x128x128xf32> to vector<128x128xf32>
    %slice3A_5 = vector.extract_strided_slice %get3A_2 {offsets = [2, 0, 0], sizes = [1, 128, 128], strides = [1, 1, 1]} : vector<4x128x128xf32> to vector<1x128x128xf32>
    %squeeze3A_6 = vector.shape_cast %slice3A_5 : vector<1x128x128xf32> to vector<128x128xf32>
    %slice3A_7 = vector.extract_strided_slice %get3A_2 {offsets = [3, 0, 0], sizes = [1, 128, 128], strides = [1, 1, 1]} : vector<4x128x128xf32> to vector<1x128x128xf32>
    %squeeze3A_8 = vector.shape_cast %slice3A_7 : vector<1x128x128xf32> to vector<128x128xf32>
    %get3A_9 = arith.constant 0 : index
    %get3A_10 = arith.constant 0 : index
    %get3A_11 = vector.load %arg1[%get3A_9, %get3A_10] : memref<128x128xf32, #tpu.memory_space<vmem>>, vector<128x128xf32>
    %get3A_12 = arith.constant 0 : index
    %get3A_13 = arith.constant 0 : index
    %get3A_14 = vector.load %arg2[%get3A_12, %get3A_13] : memref<1x1xf32, #tpu.memory_space<vmem>>, vector<1x1xf32>
    %exp3A = math.exp %squeeze3A_4 : vector<128x128xf32>
    %div3A = arith.divf %exp3A, %squeeze3A_6 : vector<128x128xf32>
    %mul3A = vector.broadcast %get3A_14 : vector<1x1xf32> to vector<128x128xf32>
    %mul3A_15 = arith.mulf %mul3A, %get3A_11 : vector<128x128xf32>
    %add3A = arith.addf %div3A, %mul3A_15 : vector<128x128xf32>
    %jit3A = arith.constant 9.99999974E-5 : f32
    %jit3A_16 = arith.constant 1.000000e+00 : f32
    %max3A = vector.broadcast %jit3A : f32 to vector<128x128xf32>
    %max3A_17 = arith.maximumf %max3A, %add3A : vector<128x128xf32>
    %min3A = vector.broadcast %jit3A_16 : f32 to vector<128x128xf32>
    %min3A_18 = arith.minimumf %min3A, %max3A_17 : vector<128x128xf32>
    %neg3A = arith.constant 0.000000e+00 : f32
    %neg3A_19 = vector.broadcast %neg3A : f32 to vector<128x128xf32>
    %neg3A_20 = arith.subf %neg3A_19, %squeeze3A : vector<128x128xf32>
    %log3A = math.log %min3A_18 : vector<128x128xf32>
    %mul3A_21 = arith.mulf %neg3A_20, %log3A : vector<128x128xf32>
    %sub3A = arith.constant 1.000000e+00 : f32
    %sub3A_22 = vector.broadcast %sub3A : f32 to vector<128x128xf32>
    %sub3A_23 = arith.subf %get3A_11, %sub3A_22 : vector<128x128xf32>
    %mul3A_24 = arith.mulf %sub3A_23, %sub3A_23 : vector<128x128xf32>
    %add3A_25 = arith.constant 1.000000e+00 : f32
    %add3A_26 = vector.broadcast %add3A_25 : f32 to vector<128x128xf32>
    %add3A_27 = arith.addf %add3A_26, %mul3A_24 : vector<128x128xf32>
    %mul3A_28 = arith.constant 2.000000e+00 : f32
    %mul3A_29 = vector.broadcast %mul3A_28 : f32 to vector<128x128xf32>
    %mul3A_30 = arith.mulf %mul3A_29, %sub3A_23 : vector<128x128xf32>
    %mul3A_31 = arith.mulf %mul3A_30, %squeeze3A_8 : vector<128x128xf32>
    %add3A_32 = arith.addf %add3A_27, %mul3A_31 : vector<128x128xf32>
    %jit3A_33 = arith.constant 9.99999993E-9 : f32
    %max3A_34 = vector.broadcast %jit3A_33 : f32 to vector<128x128xf32>
    %max3A_35 = arith.maximumf %max3A_34, %get3A_11 : vector<128x128xf32>
    %log3A_36 = math.log %max3A_35 : vector<128x128xf32>
    %neg3A_37 = arith.constant 0.000000e+00 : f32
    %neg3A_38 = vector.broadcast %neg3A_37 : f32 to vector<128x128xf32>
    %neg3A_39 = arith.subf %neg3A_38, %log3A_36 : vector<128x128xf32>
    %div3A_40 = arith.constant 1.000000e+00 : f32
    %div3A_41 = vector.broadcast %div3A_40 : f32 to vector<128x128xf32>
    %div3A_42 = arith.divf %div3A_41, %max3A_35 : vector<128x128xf32>
    %reduce_sum3A = arith.constant dense<0.000000e+00> : vector<128xf32>
    %reduce_sum3A_43 = vector.multi_reduction <add>, %mul3A_21, %reduce_sum3A [1] : vector<128x128xf32> to vector<128xf32>
    %broadcast_in_dim3A = vector.shape_cast %reduce_sum3A_43 : vector<128xf32> to vector<128x1xf32>
    %reduce_sum3A_44 = arith.constant dense<0.000000e+00> : vector<1xf32>
    %reduce_sum3A_45 = vector.multi_reduction <add>, %broadcast_in_dim3A, %reduce_sum3A_44 [0] : vector<128x1xf32> to vector<1xf32>
    %broadcast_in_dim3A_46 = vector.shape_cast %reduce_sum3A_45 : vector<1xf32> to vector<1x1xf32>
    %mul3A_47 = arith.constant 6.10351563E-5 : f32
    %mul3A_48 = vector.broadcast %mul3A_47 : f32 to vector<1x1xf32>
    %mul3A_49 = arith.mulf %broadcast_in_dim3A_46, %mul3A_48 : vector<1x1xf32>
    %swap3A = arith.constant 0 : index
    %swap3A_50 = arith.constant 0 : index
    %swap3A_51 = vector.load %arg3[%swap3A, %swap3A_50] : memref<1x1xf32, #tpu.memory_space<vmem>>, vector<1x1xf32>
    tpu.vector_store %arg3[%swap3A, %swap3A_50], %mul3A_49 {strides = array<i32>} : memref<1x1xf32, #tpu.memory_space<vmem>>, vector<1x1xf32>,
    %reduce_sum3A_52 = arith.constant dense<0.000000e+00> : vector<128xf32>
    %reduce_sum3A_53 = vector.multi_reduction <add>, %add3A_32, %reduce_sum3A_52 [1] : vector<128x128xf32> to vector<128xf32>
    %broadcast_in_dim3A_54 = vector.shape_cast %reduce_sum3A_53 : vector<128xf32> to vector<128x1xf32>
    %reduce_sum3A_55 = arith.constant dense<0.000000e+00> : vector<1xf32>
    %reduce_sum3A_56 = vector.multi_reduction <add>, %broadcast_in_dim3A_54, %reduce_sum3A_55 [0] : vector<128x1xf32> to vector<1xf32>
    %broadcast_in_dim3A_57 = vector.shape_cast %reduce_sum3A_56 : vector<1xf32> to vector<1x1xf32>
    %mul3A_58 = arith.constant 6.10351563E-5 : f32
    %mul3A_59 = vector.broadcast %mul3A_58 : f32 to vector<1x1xf32>
    %mul3A_60 = arith.mulf %broadcast_in_dim3A_57, %mul3A_59 : vector<1x1xf32>
    %swap3A_61 = arith.constant 0 : index
    %swap3A_62 = arith.constant 0 : index
    %swap3A_63 = vector.load %arg4[%swap3A_61, %swap3A_62] : memref<1x1xf32, #tpu.memory_space<vmem>>, vector<1x1xf32>
    tpu.vector_store %arg4[%swap3A_61, %swap3A_62], %mul3A_60 {strides = array<i32>} : memref<1x1xf32, #tpu.memory_space<vmem>>, vector<1x1xf32>,
    %reduce_sum3A_64 = arith.constant dense<0.000000e+00> : vector<128xf32>
    %reduce_sum3A_65 = vector.multi_reduction <add>, %exp3A, %reduce_sum3A_64 [1] : vector<128x128xf32> to vector<128xf32>
    %broadcast_in_dim3A_66 = vector.shape_cast %reduce_sum3A_65 : vector<128xf32> to vector<128x1xf32>
    %reduce_sum3A_67 = arith.constant dense<0.000000e+00> : vector<1xf32>
    %reduce_sum3A_68 = vector.multi_reduction <add>, %broadcast_in_dim3A_66, %reduce_sum3A_67 [0] : vector<128x1xf32> to vector<1xf32>
    %broadcast_in_dim3A_69 = vector.shape_cast %reduce_sum3A_68 : vector<1xf32> to vector<1x1xf32>
    %reduce_sum3A_70 = arith.constant dense<0.000000e+00> : vector<128xf32>
    %reduce_sum3A_71 = vector.multi_reduction <add>, %div3A_42, %reduce_sum3A_70 [1] : vector<128x128xf32> to vector<128xf32>
    %broadcast_in_dim3A_72 = vector.shape_cast %reduce_sum3A_71 : vector<128xf32> to vector<128x1xf32>
    %reduce_sum3A_73 = arith.constant dense<0.000000e+00> : vector<1xf32>
    %reduce_sum3A_74 = vector.multi_reduction <add>, %broadcast_in_dim3A_72, %reduce_sum3A_73 [0] : vector<128x1xf32> to vector<1xf32>
    %broadcast_in_dim3A_75 = vector.shape_cast %reduce_sum3A_74 : vector<1xf32> to vector<1x1xf32>
    %sub3A_76 = arith.subf %neg3A_39, %squeeze3A_4 : vector<128x128xf32>
    %mul3A_77 = arith.mulf %div3A_42, %sub3A_76 : vector<128x128xf32>
    %reduce_sum3A_78 = arith.constant dense<0.000000e+00> : vector<128xf32>
    %reduce_sum3A_79 = vector.multi_reduction <add>, %mul3A_77, %reduce_sum3A_78 [1] : vector<128x128xf32> to vector<128xf32>
    %broadcast_in_dim3A_80 = vector.shape_cast %reduce_sum3A_79 : vector<128xf32> to vector<128x1xf32>
    %reduce_sum3A_81 = arith.constant dense<0.000000e+00> : vector<1xf32>
    %reduce_sum3A_82 = vector.multi_reduction <add>, %broadcast_in_dim3A_80, %reduce_sum3A_81 [0] : vector<128x1xf32> to vector<1xf32>
    %broadcast_in_dim3A_83 = vector.shape_cast %reduce_sum3A_82 : vector<1xf32> to vector<1x1xf32>
    %div3A_84 = arith.divf %broadcast_in_dim3A_83, %broadcast_in_dim3A_75 : vector<1x1xf32>
    %log3A_85 = math.log %broadcast_in_dim3A_75 : vector<1x1xf32>
    %sub3A_86 = arith.subf %div3A_84, %log3A_85 : vector<1x1xf32>
    %log3A_87 = math.log %broadcast_in_dim3A_69 : vector<1x1xf32>
    %add3A_88 = arith.addf %sub3A_86, %log3A_87 : vector<1x1xf32>
    %mul3A_89 = arith.constant 6.10351563E-5 : f32
    %mul3A_90 = vector.broadcast %mul3A_89 : f32 to vector<1x1xf32>
    %mul3A_91 = arith.mulf %add3A_88, %mul3A_90 : vector<1x1xf32>
    %swap3A_92 = arith.constant 0 : index
    %swap3A_93 = arith.constant 0 : index
    %swap3A_94 = vector.load %arg5[%swap3A_92, %swap3A_93] : memref<1x1xf32, #tpu.memory_space<vmem>>, vector<1x1xf32>
    tpu.vector_store %arg5[%swap3A_92, %swap3A_93], %mul3A_91 {strides = array<i32>} : memref<1x1xf32, #tpu.memory_space<vmem>>, vector<1x1xf32>,
    return
  }
}

module attributes {stable_mosaic.version = 14 : i64} {
  func.func @_rows_body(%arg0: i32, %arg1: memref<64x8192xf32, #tpu.memory_space<vmem>>, %arg2: memref<64x8192xf32, #tpu.memory_space<vmem>>, %arg3: memref<8192x256xf32, #tpu.memory_space<vmem>>, %arg4: memref<64x256xf32, #tpu.memory_space<vmem>>, %arg5: memref<4x64x128xf32, #tpu.memory_space<vmem>>) attributes {dimension_semantics = [#tpu.dimension_semantics<arbitrary>], iteration_bounds = array<i64: 2>, scalar_prefetch = 0 : i64, scratch_operands = 0 : i64, tpu.core_type = #tpu.core_type<tc>, window_params = [{transform_indices = @transform_0, window_bounds = array<i64: 64, 8192>}, {transform_indices = @transform_1, window_bounds = array<i64: 64, 8192>}, {transform_indices = @transform_2, window_bounds = array<i64: 8192, 256>}, {pipeline_mode = #tpu.pipeline_mode<synchronous>, transform_indices = @transform_3, window_bounds = array<i64: 64, 256>}, {transform_indices = @transform_4, window_bounds = array<i64: 4, 64, 128>}]} {
    %get3A = arith.constant 0 : index
    %get3A_0 = arith.constant 0 : index
    %get3A_1 = vector.load %arg1[%get3A, %get3A_0] : memref<64x8192xf32, #tpu.memory_space<vmem>>, vector<64x8192xf32>
    %get3A_2 = arith.constant 0 : index
    %get3A_3 = arith.constant 0 : index
    %get3A_4 = vector.load %arg2[%get3A_2, %get3A_3] : memref<64x8192xf32, #tpu.memory_space<vmem>>, vector<64x8192xf32>
    %get3A_5 = arith.constant 0 : index
    %get3A_6 = arith.constant 0 : index
    %get3A_7 = vector.load %arg3[%get3A_5, %get3A_6] : memref<8192x256xf32, #tpu.memory_space<vmem>>, vector<8192x256xf32>
    %get3A_8 = arith.constant 0 : index
    %get3A_9 = arith.constant 0 : index
    %get3A_10 = vector.load %arg4[%get3A_8, %get3A_9] : memref<64x256xf32, #tpu.memory_space<vmem>>, vector<64x256xf32>
    %broadcast_in_dim3A = arith.constant 1.000000e+00 : f32
    %broadcast_in_dim3A_11 = vector.broadcast %broadcast_in_dim3A : f32 to vector<1x256xf32>
    %mul3A = arith.mulf %get3A_10, %get3A_10 : vector<64x256xf32>
    %reduce_sum3A = arith.constant dense<0.000000e+00> : vector<64xf32>
    %reduce_sum3A_12 = vector.multi_reduction <add>, %mul3A, %reduce_sum3A [1] : vector<64x256xf32> to vector<64xf32>
    %broadcast_in_dim3A_13 = vector.shape_cast %reduce_sum3A_12 : vector<64xf32> to vector<64x1xf32>
    %sqrt3A = math.sqrt %broadcast_in_dim3A_13 : vector<64x1xf32>
    %jit3A = arith.constant 9.99999993E-9 : f32
    %max3A = vector.broadcast %jit3A : f32 to vector<64x1xf32>
    %max3A_14 = arith.maximumf %max3A, %sqrt3A : vector<64x1xf32>
    %div3A = vector.broadcast %max3A_14 : vector<64x1xf32> to vector<64x256xf32>
    %div3A_15 = arith.divf %get3A_10, %div3A : vector<64x256xf32>
    %dot_general3A = arith.constant dense<0.000000e+00> : vector<64x8192xf32>
    %dot_general3A_16 = tpu.matmul %div3A_15, %get3A_7, %dot_general3A {dimension_numbers = #tpu.dot_dimension_numbers<[1], [1], [0], [0], [0, 0, 1, 0], [], []>, transpose_lhs_hint = false} : vector<64x256xf32>, vector<8192x256xf32>, vector<64x8192xf32> -> vector<64x8192xf32>
    %mul3A_17 = arith.mulf %get3A_7, %get3A_7 : vector<8192x256xf32>
    %dot_general3A_18 = arith.constant dense<0.000000e+00> : vector<1x8192xf32>
    %dot_general3A_19 = tpu.matmul %broadcast_in_dim3A_11, %mul3A_17, %dot_general3A_18 {dimension_numbers = #tpu.dot_dimension_numbers<[1], [1], [0], [0], [0, 0, 1, 0], [], []>, transpose_lhs_hint = false} : vector<1x256xf32>, vector<8192x256xf32>, vector<1x8192xf32> -> vector<1x8192xf32>
    %mul3A_20 = arith.mulf %dot_general3A_16, %get3A_4 : vector<64x8192xf32>
    %reduce_sum3A_21 = arith.constant dense<0.000000e+00> : vector<8192xf32>
    %reduce_sum3A_22 = vector.multi_reduction <add>, %mul3A_20, %reduce_sum3A_21 [0] : vector<64x8192xf32> to vector<8192xf32>
    %broadcast_in_dim3A_23 = vector.shape_cast %reduce_sum3A_22 : vector<8192xf32> to vector<1x8192xf32>
    %mul3A_24 = arith.mulf %get3A_1, %get3A_4 : vector<64x8192xf32>
    %reduce_sum3A_25 = arith.constant dense<0.000000e+00> : vector<8192xf32>
    %reduce_sum3A_26 = vector.multi_reduction <add>, %mul3A_24, %reduce_sum3A_25 [0] : vector<64x8192xf32> to vector<8192xf32>
    %broadcast_in_dim3A_27 = vector.shape_cast %reduce_sum3A_26 : vector<8192xf32> to vector<1x8192xf32>
    %exp3A = math.exp %get3A_1 : vector<64x8192xf32>
    %reduce_sum3A_28 = arith.constant dense<0.000000e+00> : vector<8192xf32>
    %reduce_sum3A_29 = vector.multi_reduction <add>, %exp3A, %reduce_sum3A_28 [0] : vector<64x8192xf32> to vector<8192xf32>
    %broadcast_in_dim3A_30 = vector.shape_cast %reduce_sum3A_29 : vector<8192xf32> to vector<1x8192xf32>
    %reduce_max3A = arith.constant dense<0xFF800000> : vector<8192xf32>
    %reduce_max3A_31 = vector.multi_reduction <maximumf>, %get3A_1, %reduce_max3A [0] : vector<64x8192xf32> to vector<8192xf32>
    %broadcast_in_dim3A_32 = vector.shape_cast %reduce_max3A_31 : vector<8192xf32> to vector<1x8192xf32>
    %ge3A = vector.broadcast %broadcast_in_dim3A_32 : vector<1x8192xf32> to vector<64x8192xf32>
    %ge3A_33 = arith.cmpf oge, %get3A_1, %ge3A : vector<64x8192xf32>
    %convert_element_type3A = arith.extui %ge3A_33 : vector<64x8192xi1> to vector<64x8192xi32>
    %convert_element_type3A_34 = arith.sitofp %convert_element_type3A : vector<64x8192xi32> to vector<64x8192xf32>
    %mul3A_35 = arith.mulf %convert_element_type3A_34, %get3A_4 : vector<64x8192xf32>
    %reduce_sum3A_36 = arith.constant dense<0.000000e+00> : vector<8192xf32>
    %reduce_sum3A_37 = vector.multi_reduction <add>, %mul3A_35, %reduce_sum3A_36 [0] : vector<64x8192xf32> to vector<8192xf32>
    %broadcast_in_dim3A_38 = vector.shape_cast %reduce_sum3A_37 : vector<8192xf32> to vector<1x8192xf32>
    %sqrt3A_39 = math.sqrt %dot_general3A_19 : vector<1x8192xf32>
    %jit3A_40 = arith.constant 9.99999993E-9 : f32
    %max3A_41 = vector.broadcast %jit3A_40 : f32 to vector<1x8192xf32>
    %max3A_42 = arith.maximumf %max3A_41, %sqrt3A_39 : vector<1x8192xf32>
    %div3A_43 = arith.divf %broadcast_in_dim3A_23, %max3A_42 : vector<1x8192xf32>
    %max3A_44 = arith.constant 0.000000e+00 : f32
    %max3A_45 = vector.broadcast %max3A_44 : f32 to vector<1x8192xf32>
    %max3A_46 = arith.maximumf %div3A_43, %max3A_45 : vector<1x8192xf32>
    %concatenate3A = tpu.concatenate %max3A_46, %broadcast_in_dim3A_27, %broadcast_in_dim3A_30, %broadcast_in_dim3A_38 in 0 : vector<1x8192xf32>, vector<1x8192xf32>, vector<1x8192xf32>, vector<1x8192xf32> -> vector<4x8192xf32>
    %reshape3A = vector.shape_cast %concatenate3A : vector<4x8192xf32> to vector<4x64x128xf32>
    %swap3A = arith.constant 0 : index
    %swap3A_47 = arith.constant 0 : index
    %swap3A_48 = arith.constant 0 : index
    %swap3A_49 = vector.load %arg5[%swap3A, %swap3A_47, %swap3A_48] : memref<4x64x128xf32, #tpu.memory_space<vmem>>, vector<4x64x128xf32>
    tpu.vector_store %arg5[%swap3A, %swap3A_47, %swap3A_48], %reshape3A {strides = array<i32>} : memref<4x64x128xf32, #tpu.memory_space<vmem>>, vector<4x64x128xf32>,
    return
  }
  func.func @transform_0(%arg0: i32) -> (i32, i32) {
    %c0_i32 = arith.constant 0 : i32
    %c0_i32_0 = arith.constant 0 : i32
    return %c0_i32, %arg0 : i32, i32
  }
  func.func @transform_1(%arg0: i32) -> (i32, i32) {
    %c0_i32 = arith.constant 0 : i32
    %c0_i32_0 = arith.constant 0 : i32
    return %c0_i32, %arg0 : i32, i32
  }
  func.func @transform_2(%arg0: i32) -> (i32, i32) {
    %c0_i32 = arith.constant 0 : i32
    %c0_i32_0 = arith.constant 0 : i32
    return %arg0, %c0_i32 : i32, i32
  }
  func.func @transform_3(%arg0: i32) -> (i32, i32) {
    %c0_i32 = arith.constant 0 : i32
    %c0_i32_0 = arith.constant 0 : i32
    %c0_i32_1 = arith.constant 0 : i32
    return %c0_i32, %c0_i32_0 : i32, i32
  }
  func.func @transform_4(%arg0: i32) -> (i32, i32, i32) {
    %c0_i32 = arith.constant 0 : i32
    %c0_i32_0 = arith.constant 0 : i32
    %c0_i32_1 = arith.constant 0 : i32
    return %c0_i32, %arg0, %c0_i32_0 : i32, i32, i32
  }
}

</mosaic_0001>

<sc_bundles>
// kernel: kernel.5.cloned.1.call-start
scs
__scs_entry_jumppad:
0x0: {  	(pc) =	sbr.rel $0x88, $3  }
0x1: {  	(tag) =	ssettag $0x0;
	lr =	simm.s32 $0x1  }
0x2: {  	[smem:$0x3F99] =	sst lr;
	_ =	strace $0xD0000000  }
0x3: {  	_ = 	snop  }
0x4: {  	_ = 	snop  }
0x5: {  	_ = 	snop  }
0x6: {  	_ = 	snop  }
0x7: {  	_ = 	snop  }
__scs_overlays_trampoline_lowered:
0x8: {  	[smem:$0x3FA8] =	sst s0  }
0x9: {  	[smem:$0x3FA9] =	sst s1  }
0xa: {  	[smem:$0x3FAA] =	sst s2  }
0xb: {  	[smem:$0x3FAB] =	sst s3  }
0xc: {  	[smem:$0x3FAC] =	sst s4  }
0xd: {  	[smem:$0x3FAD] =	sst s5  }
0xe: {  	[smem:$0x3FAE] =	sst s6  }
0xf: {  	[smem:$0x3FAF] =	sst s7  }
0x10: {  	[smem:$0x3FB0] =	sst s8  }
0x11: {  	[smem:$0x3FB1] =	sst s9;
	s0 =	simm.s32 @!p0 $0x0  }
0x12: {  	s1 =	sld [smem:$0x3F97];
	s0 =	simm.s32 @p0 $0x1  }
0x13: {  	[smem:$0x3FB2] =	sst s0;
	s0 =	simm.s32 @!p1 $0x0  }
0x14: {  	s2 =	sld [smem:$0x3F96];
	s0 =	simm.s32 @p1 $0x1  }
0x15: {  	[smem:$0x3FB3] =	sst s0;
	s0 =	simm.s32 @!p2 $0x0  }
0x16: {  	s3 =	sld [smem:$0x3FDB];
	s0 =	simm.s32 @p2 $0x1  }
0x17: {  	s4 =	simm.s32 $0x1BF5;
	[smem:$0x3FB5] =	sst s0  }
0x18: {  	s0 =	sld [smem:$0x3F98];
	_ =	swait.ge [sflag:s4], $0x0  }
0x19: {  	s7 =	sld [smem:$0x3F99]  }
0x1a: {  	s8 =	sadd.s32 $0xFFFFE003, lr  }
0x1b: {  	s9 =	sadd.s32 $0xFFFFFEF7, lr;
	s5 =	simm.s32 $0xFFFFFFFF;
	p2 =	slt.u32 s8, $0xFFFFF086  }
0x1c: {  	p1 =	slt.u32 s9, $0xF7A;
	s5 =	simm.s32 @!p2 $0x0  }
0x1d: {  	s5 =	simm.s32 @p1 $0x1;
	p0 =	seq.s32 s7, s2  }
0x1e: {  	s7 =	smul.u32 @!p0 $0xF7A, s2;
	p2 =	seq.s32 @!p0 s5, $0x0  }
0x1f: {  	s9 =	smul.u32 $0xF7A, s1;
	s8 =	simm.s32 @!p0 $0x1BF5;
	p2 =	por !p2, p0  }
0x20: {  	[sflag:s8] =	ssyncset.s32 @!p0 $0xFFFFF086;
	s6 =	sadd.s32 @!p0 s3, s7;
	s7 =	simm.s32 @!p0 $0x108  }
0x21: {  	s3 =	sadd.s32 s3, s9;
	s6 =	sadd.s32 @!p0 $0x88, s6;
	s7 =	simm.s32 @p2 $0x1082  }
0x22: {  	[simem:s7], [sflag:s8] =	dma.local @!p0 [hbm:s6], $0xF7A  }
0x23: {  	s9 =	sor.u32 $0xD0000000, s2;
	s6 =	simm.s32 $0x108;
	_ =	swait.ge @!p0 [sflag:s8], $0x0  }
0x24: {  	s3 =	sadd.s32 $0x88, s3;
	s6 =	simm.s32 @!p1 $0x1082;
	[sflag:s4] =	ssyncset.s32 $0xFFFFF086  }
0x25: {  	[simem:s6], [sflag:s4] =	dma.local [hbm:s3], $0xF7A  }
0x26: {  	[smem:$0x3F99] =	sst s1;
	(tag) =	ssettag s2;
	_ =	strace s9  }
0x27: {  	s1 =	sld [smem:$0x3FA9]  }
0x28: {  	s2 =	sld [smem:$0x3FAA]  }
0x29: {  	s4 =	sld [smem:$0x3FAC]  }
0x2a: {  	p0 =	seq.s32 s5, $0x0;
	s5 =	sld [smem:$0x3FAD]  }
0x2b: {  	s6 =	sld [smem:$0x3FAE]  }
0x2c: {  	s7 =	sld [smem:$0x3FAF]  }
0x2d: {  	s3 =	simm.s32 $0x108;
	s8 =	sld [smem:$0x3FB0]  }
0x2e: {  	s3 =	simm.s32 @!p0 $0x1082;
	s9 =	sld [smem:$0x3FB1]  }
0x2f: {  	lr =	sadd.s32 s0, s3;
	s0 =	sld [smem:$0x3FA8]  }
0x30: {  	s3 =	sld [smem:$0x3FAB]  }
0x31: {  	[smem:$0x3FB4] =	sst s10  }
0x32: {  	s10 =	sld [smem:$0x3FB2];
	_ =	sdelay $0x3  }
0x33: {  	p0 =	seq.s32 s10, $0x1;
	s10 =	sld [smem:$0x3FB4];
	_ =	sdelay $0x3  }
0x34: {  	[smem:$0x3FB4] =	sst s10  }
0x35: {  	s10 =	sld [smem:$0x3FB3];
	_ =	sdelay $0x3  }
0x36: {  	p1 =	seq.s32 s10, $0x1;
	s10 =	sld [smem:$0x3FB4];
	_ =	sdelay $0x3  }
0x37: {  	[smem:$0x3FB4] =	sst s10  }
0x38: {  	s10 =	sld [smem:$0x3FB5]  }
0x39: {  	_ = 	snop;
	(pc) =	sbr.ind lr, $3  }
0x3a: {  	_ = 	snop  }
0x3b: {  	_ = 	snop  }
0x3c: {  	p2 =	seq.s32 s10, $0x1;
	s10 =	sld [smem:$0x3FB4]  }
0x3d: {  	_ =	shalt  }
0x3e: {  	_ =	shalt  }
0x3f: {  	_ =	shalt  }
0x40: {  	_ =	shalt  }
0x41: {  	_ =	shalt  }
0x42: {  	_ =	shalt  }
0x43: {  	_ =	shalt  }
0x44: {  	_ =	shalt  }
0x45: {  	_ =	shalt  }
0x46: {  	_ =	shalt  }
0x47: {  	_ =	shalt  }
0x48: {  	_ =	shalt  }
0x49: {  	_ =	shalt  }
0x4a: {  	_ =	shalt  }
0x4b: {  	_ =	shalt  }
0x4c: {  	_ =	shalt  }
0x4d: {  	_ =	shalt  }
0x4e: {  	_ =	shalt  }
0x4f: {  	_ =	shalt  }
0x50: {  	_ =	shalt  }
0x51: {  	_ =	shalt  }
0x52: {  	_ =	shalt  }
0x53: {  	_ =	shalt  }
0x54: {  	_ =	shalt  }
0x55: {  	_ =	shalt  }
0x56: {  	_ =	shalt  }
0x57: {  	_ =	shalt  }
0x58: {  	_ =	shalt  }
0x59: {  	_ =	shalt  }
0x5a: {  	_ =	shalt  }
0x5b: {  	_ =	shalt  }
0x5c: {  	_ =	shalt  }
0x5d: {  	_ =	shalt  }
0x5e: {  	_ =	shalt  }
0x5f: {  	_ =	shalt  }
0x60: {  	_ =	shalt  }
0x61: {  	_ =	shalt  }
0x62: {  	_ =	shalt  }
0x63: {  	_ =	shalt  }
0x64: {  	_ =	shalt  }
0x65: {  	_ =	shalt  }
0x66: {  	_ =	shalt  }
0x67: {  	_ =	shalt  }
0x68: {  	_ =	shalt  }
0x69: {  	_ =	shalt  }
0x6a: {  	_ =	shalt  }
0x6b: {  	_ =	shalt  }
0x6c: {  	_ =	shalt  }
0x6d: {  	_ =	shalt  }
0x6e: {  	_ =	shalt  }
0x6f: {  	_ =	shalt  }
0x70: {  	_ =	shalt  }
0x71: {  	_ =	shalt  }
0x72: {  	_ =	shalt  }
0x73: {  	_ =	shalt  }
0x74: {  	_ =	shalt  }
0x75: {  	_ =	shalt  }
0x76: {  	_ =	shalt  }
0x77: {  	_ =	shalt  }
0x78: {  	_ =	shalt  }
0x79: {  	_ =	shalt  }
0x7a: {  	_ =	shalt  }
0x7b: {  	_ =	shalt  }
0x7c: {  	_ =	shalt  }
0x7d: {  	_ =	shalt  }
0x7e: {  	_ =	shalt  }
0x7f: {  	_ =	shalt  }
0x80: {  	_ =	shalt  }
0x81: {  	_ =	shalt  }
0x82: {  	_ =	shalt  }
0x83: {  	_ =	shalt  }
0x84: {  	_ =	shalt  }
0x85: {  	_ =	shalt  }
0x86: {  	_ =	shalt  }
0x87: {  	_ =	shalt  }
.Lfunc_end0:
.L_simem_size_0:
called_computation_lowered:
.L_overlay_start_0:
0x88: {  	s2 =	sld [smem:$0x3FD9]  }
0x89: {  	s3 =	sld [smem:$0x3FFE];
	_ =	sdelay $0x1  }
0x8a: {  	s1 =	srdreg.scid  }
0x8b: {  	s0 =	sand.u32 $0x1, s1  }
0x8c: {  	s17 =	sshll.u32 s0, $0xA;
	s2 =	sadd.s32 s3, s2  }
0x8d: {  	s2 =	sadd.s32 s2, s17  }
0x8e: {  	[smem:$0x3FC0] =	sst s2  }
0x8f: {  	_ = 	snop  }
0x90: {  	s2 =	sld [smem:$0x3FC9];
	(tm) =	ssettm $0x1  }
0x91: {  	s18 =	sld [smem:$0x3FFB];
	_ =	sdelay $0x3  }
0x92: {  	_ =	strace s18  }
0x93: {  	s3 =	sld [smem:$0x3FFC];
	_ =	sdelay $0x3  }
0x94: {  	_ =	strace s3  }
0x95: {  	s3 =	sld [smem:$0x3FFD];
	_ =	sdelay $0x3  }
0x96: {  	_ =	strace s3  }
0x97: {  	_ =	strace $0x8FFFFFFF  }
0x98: {  	s19 =	sld [smem:$0x3FDB];
	_ =	sdelay $0x1  }
0x99: {  	s4 =	simm.s32 $_scs_section_size  }
0x9a: {  	s5 =	simm.s32 $_size__tile_overlayer_lowered;
	s6 =	simm.s32 $_tile_overlayer_lowered  }
0x9b: {  	s22 =	simm.s32 $0x1BFF;
	s21 =	sshll.u32 s6, $0x1;
	s3 =	sadd.s32 s4, s19  }
0x9c: {  	s7 =	simm.s32 $0x0;
	s20 =	sshll.u32 s5, $0x1;
	s5 =	sadd.s32 s21, s3  }
0x9d: {  	[timem:s7], [sflag:s22] =	dma.local [hbm:s5], s20  }
0x9e: {  	_ =	swait.ge [sflag:s22], s20  }
0x9f: {  	s4 =	ssub.s32 $0x0, s20;
	[sflag:s22] =	ssyncset.done $0x0  }
0xa0: {  	[sflag:s22] =	ssyncadd.s32 s4;
	_ =	sdelay $0x1  }
0xa1: {  	s23 =	simm.s32 $0x1B8B  }
0xa2: {  	_ =	swait.ge [sflag:s23], $0x1  }
0xa3: {  	[sflag:s23] =	ssyncset.done $0x0  }
0xa4: {  	s25 =	simm.s32 $0x1B8E;
	s24 =	sld [smem:$0x3FFE];
	[sflag:s23] =	ssyncadd.s32 $0xFFFFFFFF  }
0xa5: {  	s26 =	simm.s32 $execute0_lowered;
	[smem:$0x3FD2] =	sst s25  }
0xa6: {  	s5 =	sshll.u32 s26, $0x1;
	_ =	strace $0x80000046;
	[dreg:$0x1] =	wrdreg $0xFFFFFFFF  }
0xa7: {  	s28 =	simm.s32 $_size_execute0_lowered;
	s3 =	sadd.s32 s3, s5;
	[dreg:$0x0] =	wrdreg $0x0  }
0xa8: {  	s5 =	sshll.u32 s28, $0x1;
	[dreg:$0x2] =	wrdreg s3  }
0xa9: {  	[dreg:$0x3] =	wrdreg s5  }
0xaa: {  	[dreg:$0x4] =	wrdreg $0xC0  }
0xab: {  	_ =	task [dreg:s7], $0x5FFFF  }
0xac: {  	[dreg:$0x1] =	wrdreg $0xFFFFFFFF  }
0xad: {  	[dreg:$0x0] =	wrdreg $0x60  }
0xae: {  	[dreg:$0x2] =	wrdreg s24  }
0xaf: {  	[dreg:$0x3] =	wrdreg s2  }
0xb0: {  	[dreg:$0x4] =	wrdreg $0x9  }
0xb1: {  	_ =	task.clear_ibuf [dreg:s7], $0x5FFFF;
	_ =	strace $0x90000046  }
0xb2: {  	s29 =	simm.s32 $0x9;
	_ =	strace $0x80000048  }
0xb3: {  	_ =	swait.ge [sflag:s29], $0x1  }
0xb4: {  	[sflag:s29] =	ssyncadd.s32 $0xFFFFFFFF  }
0xb5: {  	_ =	strace $0x90000048  }
0xb6: {  	_ =	sfence  }
0xb7: {  	s30 =	sld [smem:$0x0];
	_ =	sdelay $0x2  }
0xb8: {  	s31 =	sshll.u32 s1, $0xD;
	s1 =	sshrl.u32 s1, $0x2  }
0xb9: {  	s3 =	sand.u32 $0x4000, s31;
	s1 =	sadd.s32 s1, s30  }
0xba: {  	s0 =	sor.u32 s3, s0;
	s1 =	sshll.u32 s1, $0x11  }
0xbb: {  	s0 =	sor.u32 s1, s0  }
0xbc: {  	s0 =	sadd.s32 $0x8F2B, s0  }
0xbd: {  	[sflag:s0] =	ssyncadd.remote.s32 $0x1  }
0xbe: {  	_ =	sfence.sel $0xFFFF  }
0xbf: {  	[dreg:$0x0] =	wrdreg $0xFFFFFFFF;
	(pc) =	sbr.abs _section_cstart, $3  }
0xc0: {  	[dreg:$0x1] =	wrdreg $0xFFFFFFFF  }
0xc1: {  	_ =	task.clear_ibuf [dreg:s7], $0x2FFFF;
	_ =	strace $0x9FFFFFFF  }
0xc2: {  	(tm) =	ssettm $0x7FFFFFFF  }
0xc3: {  	_ =	shalt  }
tec
execute0_lowered:
.L_overlay_start_1:
0x0: {  	(tag) =	ssettag $0x1  }
0x1: {  	s14 =	rddreg [dreg:$0x0]  }
0x2: {  	s3 =	rddreg [dreg:$0x1];
	s1 =	srdreg.scid  }
0x3: {  	s0 =	rddreg [dreg:$0x2];
	s15 =	sand.u32 $0x1, s1;
	s1 =	stileid.u32  }
0x4: {  	s2 =	simm.s32 $0x0;
	s16 =	sshll.u32 s15, $0x6;
	s17 =	sshll.u32 s1, $0x7  }
0x5: {  	[smem:$0x7FF] =	sst s2;
	s4 =	sor.u32 s16, s17  }
0x6: {  	_ =	strace $0x80000047;
	s4 =	sadd.s32 s3, s4;
	s3 =	simm.s32 $0x2  }
0x7: {  	[tilespmem:s2], [sflag:$0x2] =	stream.linear.gather [hbm4b:s4+s2], $0x200, $0x38;
	[tilespmem:$0x400] =	vst v63  }
0x8: {  	_ =	swait.ge [sflag:s3], $0x200  }
0x9: {  	s6 =	simm.s32 $0x80;
	[sflag:s3] =	ssyncset.done $0x0  }
0xa: {  	s7 =	simm.s32 $0x200;
	s5 =	sadd.s32 $0x600, s14;
	[sflag:s3] =	ssyncadd.s32 $0xFFFFFE00  }
0xb: {  	[tilespmem:s7], [sflag:$0x1] =	stream.indirect.gather [hbm4b:s5+s6], $0x1, s2, s6, $0xb8;
	[tilespmem:$0x400] =	vst v63  }
0xc: {  	s8 =	simm.s32 $0x280  }
0xd: {  	[tilespmem:s8], [sflag:$0x1] =	stream.indirect.gather [hbm4b:s5+s6], $0x1, s6, s6, $0xb8;
	[tilespmem:$0x400] =	vst v63  }
0xe: {  	s9 =	simm.s32 $0x100;
	s10 =	simm.s32 $0x300  }
0xf: {  	[tilespmem:s10], [sflag:$0x1] =	stream.indirect.gather [hbm4b:s5+s6], $0x1, s9, s6, $0xb8;
	[tilespmem:$0x400] =	vst v63  }
0x10: {  	s11 =	simm.s32 $0x180;
	s12 =	simm.s32 $0x380;
	s13 =	simm.s32 $0x1  }
0x11: {  	[tilespmem:s12], [sflag:$0x1] =	stream.indirect.gather [hbm4b:s5+s6], $0x1, s11, s6, $0xb8;
	[tilespmem:$0x400] =	vst v63  }
0x12: {  	_ =	swait.ge [sflag:s13], $0x80  }
0x13: {  	[sflag:s13] =	ssyncset.done $0x0  }
0x14: {  	[sflag:s13] =	ssyncadd.s32 $0xFFFFFF80  }
0x15: {  	_ =	swait.ge [sflag:s13], $0x80  }
0x16: {  	[sflag:s13] =	ssyncset.done $0x0  }
0x17: {  	s15 =	ssub.s32 $0x2, s15;
	[sflag:s13] =	ssyncadd.s32 $0xFFFFFF80  }
0x18: {  	s31 =	sshrl.u32 s15, $0x1;
	_ =	swait.ge [sflag:s13], $0x80  }
0x19: {  	s15 =	ssub.s32 s15, s31;
	[sflag:s13] =	ssyncset.done $0x0  }
0x1a: {  	s15 =	smax.u32 s15, $0x1;
	[sflag:s13] =	ssyncadd.s32 $0xFFFFFF80  }
0x1b: {  	s14 =	sadd.s32 s16, s14;
	p0 =	sne.s32 s15, $0x1;
	_ =	swait.ge [sflag:s13], $0x80  }
.Ltmp0:
0x1c: {  	s14 =	sadd.s32 s17, s14;
	[sflag:s13] =	ssyncset.done $0x0;
	(pc) =	sbr.rel @!p0 .LBB2_2-.Ltmp0, $4  }
0x1d: {  	s14 =	sadd.s32 $0x3800, s14;
	[sflag:s13] =	ssyncadd.s32 $0xFFFFFF80  }
0x1e: {  	[hbm4b:s14+s2] =	stream.linear.scatter [tilespmem:s7], [sflag:$0x2], $0x200, $0x38;
	[tilespmem:$0x400] =	vst v63  }
0x1f: {  	_ =	swait.ge [sflag:s3], $0x200  }
0x20: {  	s15 =	sadd.s32 $0xFFFFFFFF, s15;
	[sflag:s3] =	ssyncset.done $0x0  }
.LBB2_1:
0x21: {  	p0 =	sne.s32 s15, $0x1;
	s15 =	sadd.s32 $0xFFFFFFFF, s15;
	[sflag:s3] =	ssyncadd.s32 $0xFFFFFE00  }
0x22: {  	[tilespmem:s2], [sflag:$0x2] =	stream.linear.gather [hbm4b:s4+s2], $0x200, $0x38;
	[tilespmem:$0x400] =	vst v63  }
0x23: {  	_ =	swait.ge [sflag:s3], $0x200  }
0x24: {  	[sflag:s3] =	ssyncset.done $0x0  }
0x25: {  	[sflag:s3] =	ssyncadd.s32 $0xFFFFFE00  }
0x26: {  	[tilespmem:s7], [sflag:$0x1] =	stream.indirect.gather [hbm4b:s5+s6], $0x1, s2, s6, $0xb8;
	[tilespmem:$0x400] =	vst v63  }
0x27: {  	_ = 	snop  }
0x28: {  	[tilespmem:s8], [sflag:$0x1] =	stream.indirect.gather [hbm4b:s5+s6], $0x1, s6, s6, $0xb8;
	[tilespmem:$0x400] =	vst v63  }
0x29: {  	_ = 	snop  }
0x2a: {  	[tilespmem:s10], [sflag:$0x1] =	stream.indirect.gather [hbm4b:s5+s6], $0x1, s9, s6, $0xb8;
	[tilespmem:$0x400] =	vst v63  }
0x2b: {  	_ = 	snop  }
0x2c: {  	[tilespmem:s12], [sflag:$0x1] =	stream.indirect.gather [hbm4b:s5+s6], $0x1, s11, s6, $0xb8;
	[tilespmem:$0x400] =	vst v63  }
0x2d: {  	_ =	swait.ge [sflag:s13], $0x80  }
0x2e: {  	[sflag:s13] =	ssyncset.done $0x0  }
0x2f: {  	[sflag:s13] =	ssyncadd.s32 $0xFFFFFF80  }
0x30: {  	_ =	swait.ge [sflag:s13], $0x80  }
0x31: {  	[sflag:s13] =	ssyncset.done $0x0  }
0x32: {  	[sflag:s13] =	ssyncadd.s32 $0xFFFFFF80  }
0x33: {  	_ =	swait.ge [sflag:s13], $0x80  }
0x34: {  	[sflag:s13] =	ssyncset.done $0x0  }
0x35: {  	[sflag:s13] =	ssyncadd.s32 $0xFFFFFF80  }
0x36: {  	_ =	swait.ge [sflag:s13], $0x80  }
.Ltmp1:
0x37: {  	[sflag:s13] =	ssyncset.done $0x0;
	(pc) =	sbr.rel @p0 .LBB2_1-.Ltmp1, $4  }
0x38: {  	[sflag:s13] =	ssyncadd.s32 $0xFFFFFF80  }
0x39: {  	[hbm4b:s14+s2] =	stream.linear.scatter [tilespmem:s7], [sflag:$0x2], $0x200, $0x38;
	[tilespmem:$0x400] =	vst v63  }
0x3a: {  	_ =	swait.ge [sflag:s3], $0x200  }
0x3b: {  	[sflag:s3] =	ssyncset.done $0x0  }
.LBB2_2:
0x3c: {  	[sflag:s3] =	ssyncadd.s32 $0xFFFFFE00  }
0x3d: {  	_ =	sfence.sel $0x180000  }
0x3e: {  	[bflag:$0x0] =	sbarrier.arrive $0xFFFF  }
0x3f: {  	p0 =	sne.s32 s1, $0x0;
	_ =	strace $0x90000047  }
0x40: {  	s0 =	sadd.s32 @!p0 $0x100000, s0;
	[bflag:$0x2] =	sbarrier.arrive $0xFFFF  }
0x41: {  	[sflag:s0] =	ssyncadd.tile.s32 @!p0 $0x1;
	_ =	shalt  }
.Lfunc_end2:
_tile_overlayer_lowered:
.L_overlay_start_2:
0x42: {  	(tag) =	ssettag $0x2  }
0x43: {  	s0 =	rddreg [dreg:$0x0];
	s2 =	stileid.u32  }
0x44: {  	s1 =	rddreg [dreg:$0x1];
	p0 =	sne.s32 s2, $0x0  }
0x45: {  	s3 =	rddreg [dreg:$0x2];
	[bflag:$0x3] =	sbarrier.arrive $0xFFFF;
	s2 =	simm.s32 @!p0 $0x1C02  }
0x46: {  	[timem:s3], [sflag:s2] =	dma.local @!p0 [hbm:s0], s1  }
0x47: {  	s0 =	simm.s32 @!p0 $0x2  }
0x48: {  	_ =	swait.ge @!p0 [sflag:s0], s1  }
0x49: {  	s1 =	ssub.s32 @!p0 $0x0, s1;
	[sflag:s0] =	ssyncset.done @!p0 $0x0  }
0x4a: {  	[sflag:s0] =	ssyncadd.s32 @!p0 s1  }
0x4b: {  	[bflag:$0x3] =	sbarrier.arrive $0xFFFF  }
0x4c: {  	_ =	shalt  }

</sc_bundles>
